<compile_context>
chip_gen: v7x
topology: tpu7x:2x2x1
jax: 0.10.2.dev20260603
libtpu: 0.0.44.dev20260713+nightly
codegen_flags: <defaults>
</compile_context>

<pallas_src>
import jax
import jax.numpy as jnp
from jax import lax
from jax.experimental import pallas as pl
from jax.experimental.pallas import tpu as pltpu
from jax.experimental.pallas import tpu_sc as plsc

_B = 4096
_D = 128
_NC = 2
_NS = 16
_NW = _NC * _NS
_ROWS = 2 * _B
_RPW = _ROWS // _NW
_CHUNK = 128
_NCHUNK = _RPW // _CHUNK


def _body(idx_hbm, table_hbm, left_hbm, right_hbm, idx_v, rows_v, sem):
    wid = lax.axis_index("s") * _NC + lax.axis_index("c")
    pltpu.sync_copy(idx_hbm.at[wid], idx_v)
    gathers = [
        pltpu.async_copy(
            table_hbm.at[idx_v.at[c]],
            rows_v.at[pl.ds(c * _CHUNK, _CHUNK)],
            sem,
        )
        for c in range(_NCHUNK)
    ]
    for g in gathers:
        g.wait()

    half = _NW // 2

    @pl.when(wid < half)
    def _():
        pltpu.sync_copy(rows_v, left_hbm.at[pl.ds(wid * _RPW, _RPW)])

    @pl.when(wid >= half)
    def _():
        pltpu.sync_copy(rows_v, right_hbm.at[pl.ds((wid - half) * _RPW, _RPW)])


_gather = pl.kernel(
    _body,
    out_type=(
        jax.ShapeDtypeStruct((_B, _D), jnp.float32),
        jax.ShapeDtypeStruct((_B, _D), jnp.float32),
    ),
    mesh=plsc.VectorSubcoreMesh(core_axis_name="c", subcore_axis_name="s"),
    scratch_types=[
        pltpu.VMEM((_NCHUNK, _CHUNK), jnp.int32),
        pltpu.VMEM((_RPW, _D), jnp.float32),
        pltpu.SemaphoreType.DMA,
    ],
)


def kernel(entity, symbol_emb):
    idx = entity.astype(jnp.int32).T.reshape(_NW, _NCHUNK, _CHUNK)
    return _gather(idx, symbol_emb)

# --- scband reference (transcript-rebuilt; emitter-appended) ---
"""Pipeline reference for scband-entity-encoder-21114059227627 (READ-ONLY COPY).

The authoritative reference and input builder live on the scoring server;
editing this copy changes nothing except your own understanding.
"""

import jax, jax.numpy as jnp
import numpy as np

NUM_SYMBOLS = 100000
EMBED_DIM = 128
BATCH = 4096

def setup_inputs(seed: int = 0) -> dict:
    key = jax.random.key(seed)
    k1, k2 = jax.random.split(key)
    entity = jax.random.randint(k1, (BATCH, 2), 0, NUM_SYMBOLS)
    # Embedding table with padding row at index NUM_SYMBOLS (zeroed, like padding_idx)
    symbol_emb = jax.random.normal(k2, (NUM_SYMBOLS + 1, EMBED_DIM), dtype=jnp.float32) * 0.02
    symbol_emb = symbol_emb.at[NUM_SYMBOLS].set(0.0)
    return {"entity": entity, "symbol_emb": symbol_emb}

def reference(entity, symbol_emb):
    # forward with entity_meta=None:
    #   entity = self.symbol_emb(entity)                  # [B, 2, D] gather
    #   entity_left, entity_right = torch.split(entity, 1, dim=1)
    #   squeeze(1) each -> [B, D]
    emb = jnp.take(symbol_emb, entity, axis=0)  # [B, 2, D]
    entity_left = emb[:, 0, :]
    entity_right = emb[:, 1, :]
    return (entity_left, entity_right)

if __name__ == "__main__":
    import jax
    _d = setup_inputs()
    print(jax.jit(kernel)(*tuple(_d.values())))

</pallas_src>

<mosaic_0001>
#map = affine_map<(d0, d1) -> (0, 0, 0)>
#map1 = affine_map<(d0, d1) -> (0, 0)>
module attributes {stable_mosaic.version = 14 : i64} {
  func.func @_body(%arg0: i32, %arg1: i32, %arg2: memref<32x2x128xi32, #tpu.memory_space<hbm>>, %arg3: memref<100001x128xf32, #tpu.memory_space<hbm>>, %arg4: memref<4096x128xf32, #tpu.memory_space<hbm>>, %arg5: memref<4096x128xf32, #tpu.memory_space<hbm>>, %arg6: memref<2x128xi32, #tpu.memory_space<vmem>>, %arg7: memref<256x128xf32, #tpu.memory_space<vmem>>, %arg8: memref<!tpu.dma_semaphore, #tpu.memory_space<semaphore_mem>>) attributes {dimension_semantics = [#tpu.dimension_semantics<core_parallel>, #tpu.dimension_semantics<subcore_parallel>], iteration_bounds = array<i64: 2, 16>, scalar_prefetch = 0 : i64, scratch_operands = 3 : i64, tpu.core_type = #tpu.core_type<sc_vector_subcore>, window_params = [{transform_indices = #map}, {transform_indices = #map1}, {transform_indices = #map1}, {transform_indices = #map1}]} {
    %mul3A = arith.constant 2 : i32
    %mul3A_0 = arith.muli %arg1, %mul3A : i32
    %add3A = arith.addi %mul3A_0, %arg0 : i32
    "tpu.region"() ({
      %run_scoped3A = tpu.sem_alloc : memref<!tpu.dma_semaphore, #tpu.memory_space<semaphore_mem>>
      %dma_start3A_45 = arith.constant 0 : i32
      %dma_start3A_46 = arith.constant 0 : i32
      %dma_start3A_47 = tpu.memref_slice %arg2[%add3A, %dma_start3A_45, %dma_start3A_46] : memref<32x2x128xi32, #tpu.memory_space<hbm>> -> memref<1x2x128xi32, #tpu.memory_space<hbm>>
      %dma_start3A_48 = tpu.memref_squeeze %dma_start3A_47 : memref<1x2x128xi32, #tpu.memory_space<hbm>> -> memref<2x128xi32, #tpu.memory_space<hbm>>
      %dma_start3A_49 = arith.constant 0 : i32
      %dma_start3A_50 = arith.constant 0 : i32
      %dma_start3A_51 = tpu.memref_slice %arg2[%add3A, %dma_start3A_49, %dma_start3A_50] : memref<32x2x128xi32, #tpu.memory_space<hbm>> -> memref<1x2x128xi32, #tpu.memory_space<hbm>>
      %dma_start3A_52 = tpu.memref_squeeze %dma_start3A_51 : memref<1x2x128xi32, #tpu.memory_space<hbm>> -> memref<2x128xi32, #tpu.memory_space<hbm>>
      tpu.enqueue_dma source(%dma_start3A_52 : memref<2x128xi32, #tpu.memory_space<hbm>>) target(%arg6 : memref<2x128xi32, #tpu.memory_space<vmem>>) target_semaphore(%run_scoped3A : memref<!tpu.dma_semaphore, #tpu.memory_space<semaphore_mem>>)
      %dma_wait3A_53 = arith.constant 0 : i32
      %dma_wait3A_54 = arith.constant 0 : i32
      %dma_wait3A_55 = tpu.memref_slice %arg2[%add3A, %dma_wait3A_53, %dma_wait3A_54] : memref<32x2x128xi32, #tpu.memory_space<hbm>> -> memref<1x2x128xi32, #tpu.memory_space<hbm>>
      %dma_wait3A_56 = tpu.memref_squeeze %dma_wait3A_55 : memref<1x2x128xi32, #tpu.memory_space<hbm>> -> memref<2x128xi32, #tpu.memory_space<hbm>>
      %dma_wait3A_57 = arith.constant 0 : i32
      %dma_wait3A_58 = arith.constant 0 : i32
      %dma_wait3A_59 = tpu.memref_slice %arg2[%add3A, %dma_wait3A_57, %dma_wait3A_58] : memref<32x2x128xi32, #tpu.memory_space<hbm>> -> memref<1x2x128xi32, #tpu.memory_space<hbm>>
      %dma_wait3A_60 = tpu.memref_squeeze %dma_wait3A_59 : memref<1x2x128xi32, #tpu.memory_space<hbm>> -> memref<2x128xi32, #tpu.memory_space<hbm>>
      tpu.wait_dma2 semaphore(%run_scoped3A : memref<!tpu.dma_semaphore, #tpu.memory_space<semaphore_mem>>) src(%dma_wait3A_60 : memref<2x128xi32, #tpu.memory_space<hbm>>) dst(%arg6 : memref<2x128xi32, #tpu.memory_space<vmem>>)
      tpu.yield
    }) : () -> ()
    %dma_start3A = arith.constant 0 : i32
    %dma_start3A_1 = arith.constant 0 : i32
    %dma_start3A_2 = arith.constant 0 : i32
    %dma_start3A_3 = tpu.memref_slice %arg7[%dma_start3A_1, %dma_start3A_2] : memref<256x128xf32, #tpu.memory_space<vmem>> -> memref<128x128xf32, #tpu.memory_space<vmem>>
    %dma_start3A_4 = arith.constant 0 : i32
    %dma_start3A_5 = tpu.memref_slice %arg6[%dma_start3A, %dma_start3A_4] : memref<2x128xi32, #tpu.memory_space<vmem>> -> memref<1x128xi32, #tpu.memory_space<vmem>>
    %dma_start3A_6 = tpu.memref_squeeze %dma_start3A_5 : memref<1x128xi32, #tpu.memory_space<vmem>> -> memref<128xi32, #tpu.memory_space<vmem>>
    %dma_start3A_7 = arith.constant 0 : i32
    %dma_start3A_8 = arith.constant 0 : i32
    %dma_start3A_9 = tpu.memref_slice %arg3[%dma_start3A_7, %dma_start3A_8] : memref<100001x128xf32, #tpu.memory_space<hbm>> -> memref<100001x128xf32, #tpu.memory_space<hbm>>
    tpu.enqueue_indirect_dma source(%dma_start3A_9 : memref<100001x128xf32, #tpu.memory_space<hbm>>) target(%dma_start3A_3 : memref<128x128xf32, #tpu.memory_space<vmem>>) offsets(%dma_start3A_6 : memref<128xi32, #tpu.memory_space<vmem>>) semaphore(%arg8 : memref<!tpu.dma_semaphore, #tpu.memory_space<semaphore_mem>>)
    %dma_start3A_10 = arith.constant 1 : i32
    %dma_start3A_11 = arith.constant 128 : i32
    %dma_start3A_12 = arith.constant 0 : i32
    %dma_start3A_13 = tpu.memref_slice %arg7[%dma_start3A_11, %dma_start3A_12] : memref<256x128xf32, #tpu.memory_space<vmem>> -> memref<128x128xf32, #tpu.memory_space<vmem>>
    %dma_start3A_14 = arith.constant 0 : i32
    %dma_start3A_15 = tpu.memref_slice %arg6[%dma_start3A_10, %dma_start3A_14] : memref<2x128xi32, #tpu.memory_space<vmem>> -> memref<1x128xi32, #tpu.memory_space<vmem>>
    %dma_start3A_16 = tpu.memref_squeeze %dma_start3A_15 : memref<1x128xi32, #tpu.memory_space<vmem>> -> memref<128xi32, #tpu.memory_space<vmem>>
    %dma_start3A_17 = arith.constant 0 : i32
    %dma_start3A_18 = arith.constant 0 : i32
    %dma_start3A_19 = tpu.memref_slice %arg3[%dma_start3A_17, %dma_start3A_18] : memref<100001x128xf32, #tpu.memory_space<hbm>> -> memref<100001x128xf32, #tpu.memory_space<hbm>>
    tpu.enqueue_indirect_dma source(%dma_start3A_19 : memref<100001x128xf32, #tpu.memory_space<hbm>>) target(%dma_start3A_13 : memref<128x128xf32, #tpu.memory_space<vmem>>) offsets(%dma_start3A_16 : memref<128xi32, #tpu.memory_space<vmem>>) semaphore(%arg8 : memref<!tpu.dma_semaphore, #tpu.memory_space<semaphore_mem>>)
    %dma_wait3A = arith.constant 0 : i32
    %dma_wait3A_20 = arith.constant 0 : i32
    %dma_wait3A_21 = arith.constant 0 : i32
    %dma_wait3A_22 = tpu.memref_slice %arg7[%dma_wait3A_20, %dma_wait3A_21] : memref<256x128xf32, #tpu.memory_space<vmem>> -> memref<128x128xf32, #tpu.memory_space<vmem>>
    %dma_wait3A_23 = arith.constant 0 : i32
    %dma_wait3A_24 = tpu.memref_slice %arg6[%dma_wait3A, %dma_wait3A_23] : memref<2x128xi32, #tpu.memory_space<vmem>> -> memref<1x128xi32, #tpu.memory_space<vmem>>
    %dma_wait3A_25 = tpu.memref_squeeze %dma_wait3A_24 : memref<1x128xi32, #tpu.memory_space<vmem>> -> memref<128xi32, #tpu.memory_space<vmem>>
    %dma_wait3A_26 = arith.constant 0 : i32
    %dma_wait3A_27 = arith.constant 0 : i32
    %dma_wait3A_28 = tpu.memref_slice %arg3[%dma_wait3A_26, %dma_wait3A_27] : memref<100001x128xf32, #tpu.memory_space<hbm>> -> memref<100001x128xf32, #tpu.memory_space<hbm>>
    tpu.wait_indirect_dma semaphore(%arg8 : memref<!tpu.dma_semaphore, #tpu.memory_space<semaphore_mem>>) src(%dma_wait3A_28 : memref<100001x128xf32, #tpu.memory_space<hbm>>) dst(%dma_wait3A_22 : memref<128x128xf32, #tpu.memory_space<vmem>>)
    %dma_wait3A_29 = arith.constant 1 : i32
    %dma_wait3A_30 = arith.constant 128 : i32
    %dma_wait3A_31 = arith.constant 0 : i32
    %dma_wait3A_32 = tpu.memref_slice %arg7[%dma_wait3A_30, %dma_wait3A_31] : memref<256x128xf32, #tpu.memory_space<vmem>> -> memref<128x128xf32, #tpu.memory_space<vmem>>
    %dma_wait3A_33 = arith.constant 0 : i32
    %dma_wait3A_34 = tpu.memref_slice %arg6[%dma_wait3A_29, %dma_wait3A_33] : memref<2x128xi32, #tpu.memory_space<vmem>> -> memref<1x128xi32, #tpu.memory_space<vmem>>
    %dma_wait3A_35 = tpu.memref_squeeze %dma_wait3A_34 : memref<1x128xi32, #tpu.memory_space<vmem>> -> memref<128xi32, #tpu.memory_space<vmem>>
    %dma_wait3A_36 = arith.constant 0 : i32
    %dma_wait3A_37 = arith.constant 0 : i32
    %dma_wait3A_38 = tpu.memref_slice %arg3[%dma_wait3A_36, %dma_wait3A_37] : memref<100001x128xf32, #tpu.memory_space<hbm>> -> memref<100001x128xf32, #tpu.memory_space<hbm>>
    tpu.wait_indirect_dma semaphore(%arg8 : memref<!tpu.dma_semaphore, #tpu.memory_space<semaphore_mem>>) src(%dma_wait3A_38 : memref<100001x128xf32, #tpu.memory_space<hbm>>) dst(%dma_wait3A_32 : memref<128x128xf32, #tpu.memory_space<vmem>>)
    %lt3A = arith.constant 16 : i32
    %lt3A_39 = arith.cmpi slt, %add3A, %lt3A : i32
    %convert_element_type3A = arith.extui %lt3A_39 : i1 to i32
    %cond3A = arith.constant 0 : i32
    %cond3A_40 = arith.cmpi ne, %convert_element_type3A, %cond3A : i32
    scf.if %cond3A_40 {
      %mul3A_45 = arith.constant 256 : i32
      %mul3A_46 = arith.muli %add3A, %mul3A_45 : i32
      "tpu.region"() ({
        %run_scoped3A = tpu.sem_alloc : memref<!tpu.dma_semaphore, #tpu.memory_space<semaphore_mem>>
        %dma_start3A_47 = arith.constant 0 : i32
        %dma_start3A_48 = tpu.memref_slice %arg4[%mul3A_46, %dma_start3A_47] : memref<4096x128xf32, #tpu.memory_space<hbm>> -> memref<256x128xf32, #tpu.memory_space<hbm>>
        %dma_start3A_49 = arith.constant 0 : i32
        %dma_start3A_50 = tpu.memref_slice %arg4[%mul3A_46, %dma_start3A_49] : memref<4096x128xf32, #tpu.memory_space<hbm>> -> memref<256x128xf32, #tpu.memory_space<hbm>>
        tpu.enqueue_dma source(%arg7 : memref<256x128xf32, #tpu.memory_space<vmem>>) target(%dma_start3A_50 : memref<256x128xf32, #tpu.memory_space<hbm>>) target_semaphore(%run_scoped3A : memref<!tpu.dma_semaphore, #tpu.memory_space<semaphore_mem>>)
        %dma_wait3A_51 = arith.constant 0 : i32
        %dma_wait3A_52 = tpu.memref_slice %arg4[%mul3A_46, %dma_wait3A_51] : memref<4096x128xf32, #tpu.memory_space<hbm>> -> memref<256x128xf32, #tpu.memory_space<hbm>>
        %dma_wait3A_53 = arith.constant 0 : i32
        %dma_wait3A_54 = tpu.memref_slice %arg4[%mul3A_46, %dma_wait3A_53] : memref<4096x128xf32, #tpu.memory_space<hbm>> -> memref<256x128xf32, #tpu.memory_space<hbm>>
        tpu.wait_dma2 semaphore(%run_scoped3A : memref<!tpu.dma_semaphore, #tpu.memory_space<semaphore_mem>>) src(%arg7 : memref<256x128xf32, #tpu.memory_space<vmem>>) dst(%dma_wait3A_54 : memref<256x128xf32, #tpu.memory_space<hbm>>)
        tpu.yield
      }) : () -> ()
    } else {
    }
    %ge3A = arith.constant 16 : i32
    %ge3A_41 = arith.cmpi sge, %add3A, %ge3A : i32
    %convert_element_type3A_42 = arith.extui %ge3A_41 : i1 to i32
    %cond3A_43 = arith.constant 0 : i32
    %cond3A_44 = arith.cmpi ne, %convert_element_type3A_42, %cond3A_43 : i32
    scf.if %cond3A_44 {
      %sub3A = arith.constant 16 : i32
      %sub3A_45 = arith.subi %add3A, %sub3A : i32
      %mul3A_46 = arith.constant 256 : i32
      %mul3A_47 = arith.muli %sub3A_45, %mul3A_46 : i32
      "tpu.region"() ({
        %run_scoped3A = tpu.sem_alloc : memref<!tpu.dma_semaphore, #tpu.memory_space<semaphore_mem>>
        %dma_start3A_48 = arith.constant 0 : i32
        %dma_start3A_49 = tpu.memref_slice %arg5[%mul3A_47, %dma_start3A_48] : memref<4096x128xf32, #tpu.memory_space<hbm>> -> memref<256x128xf32, #tpu.memory_space<hbm>>
        %dma_start3A_50 = arith.constant 0 : i32
        %dma_start3A_51 = tpu.memref_slice %arg5[%mul3A_47, %dma_start3A_50] : memref<4096x128xf32, #tpu.memory_space<hbm>> -> memref<256x128xf32, #tpu.memory_space<hbm>>
        tpu.enqueue_dma source(%arg7 : memref<256x128xf32, #tpu.memory_space<vmem>>) target(%dma_start3A_51 : memref<256x128xf32, #tpu.memory_space<hbm>>) target_semaphore(%run_scoped3A : memref<!tpu.dma_semaphore, #tpu.memory_space<semaphore_mem>>)
        %dma_wait3A_52 = arith.constant 0 : i32
        %dma_wait3A_53 = tpu.memref_slice %arg5[%mul3A_47, %dma_wait3A_52] : memref<4096x128xf32, #tpu.memory_space<hbm>> -> memref<256x128xf32, #tpu.memory_space<hbm>>
        %dma_wait3A_54 = arith.constant 0 : i32
        %dma_wait3A_55 = tpu.memref_slice %arg5[%mul3A_47, %dma_wait3A_54] : memref<4096x128xf32, #tpu.memory_space<hbm>> -> memref<256x128xf32, #tpu.memory_space<hbm>>
        tpu.wait_dma2 semaphore(%run_scoped3A : memref<!tpu.dma_semaphore, #tpu.memory_space<semaphore_mem>>) src(%arg7 : memref<256x128xf32, #tpu.memory_space<vmem>>) dst(%dma_wait3A_55 : memref<256x128xf32, #tpu.memory_space<hbm>>)
        tpu.yield
      }) : () -> ()
    } else {
    }
    return
  }
}

</mosaic_0001>

<sc_bundles>
// kernel: kernel.3.cloned.1.call-start
scs
__scs_entry_jumppad:
0x0: {  	(pc) =	sbr.rel $0x88, $3  }
0x1: {  	(tag) =	ssettag $0x0;
	lr =	simm.s32 $0x1  }
0x2: {  	[smem:$0x3F9F] =	sst lr;
	_ =	strace $0xD0000000  }
0x3: {  	_ = 	snop  }
0x4: {  	_ = 	snop  }
0x5: {  	_ = 	snop  }
0x6: {  	_ = 	snop  }
0x7: {  	_ = 	snop  }
__scs_overlays_trampoline_lowered:
0x8: {  	[smem:$0x3FAE] =	sst s0  }
0x9: {  	[smem:$0x3FAF] =	sst s1  }
0xa: {  	[smem:$0x3FB0] =	sst s2  }
0xb: {  	[smem:$0x3FB1] =	sst s3  }
0xc: {  	[smem:$0x3FB2] =	sst s4  }
0xd: {  	[smem:$0x3FB3] =	sst s5  }
0xe: {  	[smem:$0x3FB4] =	sst s6  }
0xf: {  	[smem:$0x3FB5] =	sst s7  }
0x10: {  	[smem:$0x3FB6] =	sst s8  }
0x11: {  	[smem:$0x3FB7] =	sst s9;
	s0 =	simm.s32 @!p0 $0x0  }
0x12: {  	s1 =	sld [smem:$0x3F9D];
	s0 =	simm.s32 @p0 $0x1  }
0x13: {  	[smem:$0x3FB8] =	sst s0;
	s0 =	simm.s32 @!p1 $0x0  }
0x14: {  	s2 =	sld [smem:$0x3F9C];
	s0 =	simm.s32 @p1 $0x1  }
0x15: {  	[smem:$0x3FB9] =	sst s0;
	s0 =	simm.s32 @!p2 $0x0  }
0x16: {  	s3 =	sld [smem:$0x3FDB];
	s0 =	simm.s32 @p2 $0x1  }
0x17: {  	s4 =	simm.s32 $0x1BF5;
	[smem:$0x3FBB] =	sst s0  }
0x18: {  	s0 =	sld [smem:$0x3F9E];
	_ =	swait.ge [sflag:s4], $0x0  }
0x19: {  	s7 =	sld [smem:$0x3F9F]  }
0x1a: {  	s8 =	sadd.s32 $0xFFFFE003, lr  }
0x1b: {  	s9 =	sadd.s32 $0xFFFFFEF7, lr;
	s5 =	simm.s32 $0xFFFFFFFF;
	p2 =	slt.u32 s8, $0xFFFFF086  }
0x1c: {  	p1 =	slt.u32 s9, $0xF7A;
	s5 =	simm.s32 @!p2 $0x0  }
0x1d: {  	s5 =	simm.s32 @p1 $0x1;
	p0 =	seq.s32 s7, s2  }
0x1e: {  	s7 =	smul.u32 @!p0 $0xF7A, s2;
	p2 =	seq.s32 @!p0 s5, $0x0  }
0x1f: {  	s9 =	smul.u32 $0xF7A, s1;
	s8 =	simm.s32 @!p0 $0x1BF5;
	p2 =	por !p2, p0  }
0x20: {  	[sflag:s8] =	ssyncset.s32 @!p0 $0xFFFFF086;
	s6 =	sadd.s32 @!p0 s3, s7;
	s7 =	simm.s32 @!p0 $0x108  }
0x21: {  	s3 =	sadd.s32 s3, s9;
	s6 =	sadd.s32 @!p0 $0x88, s6;
	s7 =	simm.s32 @p2 $0x1082  }
0x22: {  	[simem:s7], [sflag:s8] =	dma.local @!p0 [hbm:s6], $0xF7A  }
0x23: {  	s9 =	sor.u32 $0xD0000000, s2;
	s6 =	simm.s32 $0x108;
	_ =	swait.ge @!p0 [sflag:s8], $0x0  }
0x24: {  	s3 =	sadd.s32 $0x88, s3;
	s6 =	simm.s32 @!p1 $0x1082;
	[sflag:s4] =	ssyncset.s32 $0xFFFFF086  }
0x25: {  	[simem:s6], [sflag:s4] =	dma.local [hbm:s3], $0xF7A  }
0x26: {  	[smem:$0x3F9F] =	sst s1;
	(tag) =	ssettag s2;
	_ =	strace s9  }
0x27: {  	s1 =	sld [smem:$0x3FAF]  }
0x28: {  	s2 =	sld [smem:$0x3FB0]  }
0x29: {  	s4 =	sld [smem:$0x3FB2]  }
0x2a: {  	p0 =	seq.s32 s5, $0x0;
	s5 =	sld [smem:$0x3FB3]  }
0x2b: {  	s6 =	sld [smem:$0x3FB4]  }
0x2c: {  	s7 =	sld [smem:$0x3FB5]  }
0x2d: {  	s3 =	simm.s32 $0x108;
	s8 =	sld [smem:$0x3FB6]  }
0x2e: {  	s3 =	simm.s32 @!p0 $0x1082;
	s9 =	sld [smem:$0x3FB7]  }
0x2f: {  	lr =	sadd.s32 s0, s3;
	s0 =	sld [smem:$0x3FAE]  }
0x30: {  	s3 =	sld [smem:$0x3FB1]  }
0x31: {  	[smem:$0x3FBA] =	sst s10  }
0x32: {  	s10 =	sld [smem:$0x3FB8];
	_ =	sdelay $0x3  }
0x33: {  	p0 =	seq.s32 s10, $0x1;
	s10 =	sld [smem:$0x3FBA];
	_ =	sdelay $0x3  }
0x34: {  	[smem:$0x3FBA] =	sst s10  }
0x35: {  	s10 =	sld [smem:$0x3FB9];
	_ =	sdelay $0x3  }
0x36: {  	p1 =	seq.s32 s10, $0x1;
	s10 =	sld [smem:$0x3FBA];
	_ =	sdelay $0x3  }
0x37: {  	[smem:$0x3FBA] =	sst s10  }
0x38: {  	s10 =	sld [smem:$0x3FBB]  }
0x39: {  	_ = 	snop;
	(pc) =	sbr.ind lr, $3  }
0x3a: {  	_ = 	snop  }
0x3b: {  	_ = 	snop  }
0x3c: {  	p2 =	seq.s32 s10, $0x1;
	s10 =	sld [smem:$0x3FBA]  }
0x3d: {  	_ =	shalt  }
0x3e: {  	_ =	shalt  }
0x3f: {  	_ =	shalt  }
0x40: {  	_ =	shalt  }
0x41: {  	_ =	shalt  }
0x42: {  	_ =	shalt  }
0x43: {  	_ =	shalt  }
0x44: {  	_ =	shalt  }
0x45: {  	_ =	shalt  }
0x46: {  	_ =	shalt  }
0x47: {  	_ =	shalt  }
0x48: {  	_ =	shalt  }
0x49: {  	_ =	shalt  }
0x4a: {  	_ =	shalt  }
0x4b: {  	_ =	shalt  }
0x4c: {  	_ =	shalt  }
0x4d: {  	_ =	shalt  }
0x4e: {  	_ =	shalt  }
0x4f: {  	_ =	shalt  }
0x50: {  	_ =	shalt  }
0x51: {  	_ =	shalt  }
0x52: {  	_ =	shalt  }
0x53: {  	_ =	shalt  }
0x54: {  	_ =	shalt  }
0x55: {  	_ =	shalt  }
0x56: {  	_ =	shalt  }
0x57: {  	_ =	shalt  }
0x58: {  	_ =	shalt  }
0x59: {  	_ =	shalt  }
0x5a: {  	_ =	shalt  }
0x5b: {  	_ =	shalt  }
0x5c: {  	_ =	shalt  }
0x5d: {  	_ =	shalt  }
0x5e: {  	_ =	shalt  }
0x5f: {  	_ =	shalt  }
0x60: {  	_ =	shalt  }
0x61: {  	_ =	shalt  }
0x62: {  	_ =	shalt  }
0x63: {  	_ =	shalt  }
0x64: {  	_ =	shalt  }
0x65: {  	_ =	shalt  }
0x66: {  	_ =	shalt  }
0x67: {  	_ =	shalt  }
0x68: {  	_ =	shalt  }
0x69: {  	_ =	shalt  }
0x6a: {  	_ =	shalt  }
0x6b: {  	_ =	shalt  }
0x6c: {  	_ =	shalt  }
0x6d: {  	_ =	shalt  }
0x6e: {  	_ =	shalt  }
0x6f: {  	_ =	shalt  }
0x70: {  	_ =	shalt  }
0x71: {  	_ =	shalt  }
0x72: {  	_ =	shalt  }
0x73: {  	_ =	shalt  }
0x74: {  	_ =	shalt  }
0x75: {  	_ =	shalt  }
0x76: {  	_ =	shalt  }
0x77: {  	_ =	shalt  }
0x78: {  	_ =	shalt  }
0x79: {  	_ =	shalt  }
0x7a: {  	_ =	shalt  }
0x7b: {  	_ =	shalt  }
0x7c: {  	_ =	shalt  }
0x7d: {  	_ =	shalt  }
0x7e: {  	_ =	shalt  }
0x7f: {  	_ =	shalt  }
0x80: {  	_ =	shalt  }
0x81: {  	_ =	shalt  }
0x82: {  	_ =	shalt  }
0x83: {  	_ =	shalt  }
0x84: {  	_ =	shalt  }
0x85: {  	_ =	shalt  }
0x86: {  	_ =	shalt  }
0x87: {  	_ =	shalt  }
.Lfunc_end0:
.L_simem_size_0:
called_computation_lowered:
.L_overlay_start_0:
0x88: {  	s2 =	sld [smem:$0x3FD9]  }
0x89: {  	s3 =	sld [smem:$0x3FFE];
	_ =	sdelay $0x1  }
0x8a: {  	s1 =	srdreg.scid  }
0x8b: {  	s0 =	sand.u32 $0x1, s1  }
0x8c: {  	s14 =	sshll.u32 s0, $0xA;
	s2 =	sadd.s32 s3, s2  }
0x8d: {  	s2 =	sadd.s32 s2, s14  }
0x8e: {  	[smem:$0x3FC6] =	sst s2  }
0x8f: {  	_ = 	snop  }
0x90: {  	s2 =	sld [smem:$0x3FD0];
	_ =	sdelay $0x2  }
0x91: {  	s4 =	simm.s32 $0xA;
	s5 =	simm.s32 $0x10;
	s15 =	sld [smem:$0x3FC8]  }
0x92: {  	[smem:s5], [sflag:s4] =	dma.local [hbm:s2], $0x1  }
0x93: {  	_ =	swait.eq [sflag:s4], $0x1  }
0x94: {  	[sflag:s4] =	ssyncset.done $0x0  }
0x95: {  	s16 =	sld [smem:$0x10];
	[sflag:s4] =	ssyncadd.s32 $0xFFFFFFFF  }
0x96: {  	s17 =	sld [smem:$0x11];
	(tm) =	ssettm $0x1  }
0x97: {  	s18 =	sld [smem:$0x3FFB];
	_ =	sdelay $0x3  }
0x98: {  	_ =	strace s18  }
0x99: {  	s5 =	sld [smem:$0x3FFC];
	_ =	sdelay $0x3  }
0x9a: {  	_ =	strace s5  }
0x9b: {  	s5 =	sld [smem:$0x3FFD];
	_ =	sdelay $0x3  }
0x9c: {  	_ =	strace s5  }
0x9d: {  	_ =	strace $0x8FFFFFFF  }
0x9e: {  	s19 =	sld [smem:$0x3FDB];
	_ =	sdelay $0x1  }
0x9f: {  	s6 =	simm.s32 $_scs_section_size  }
0xa0: {  	s7 =	simm.s32 $_size__tile_overlayer_lowered;
	s8 =	simm.s32 $_tile_overlayer_lowered  }
0xa1: {  	s22 =	simm.s32 $0x1BFF;
	s21 =	sshll.u32 s8, $0x1;
	s5 =	sadd.s32 s6, s19  }
0xa2: {  	s9 =	simm.s32 $0x0;
	s20 =	sshll.u32 s7, $0x1;
	s7 =	sadd.s32 s21, s5  }
0xa3: {  	[timem:s9], [sflag:s22] =	dma.local [hbm:s7], s20  }
0xa4: {  	_ =	swait.ge [sflag:s22], s20  }
0xa5: {  	s6 =	ssub.s32 $0x0, s20;
	[sflag:s22] =	ssyncset.done $0x0  }
0xa6: {  	[sflag:s22] =	ssyncadd.s32 s6;
	_ =	sdelay $0x1  }
0xa7: {  	s23 =	simm.s32 $0x1B8B  }
0xa8: {  	_ =	swait.ge [sflag:s23], $0x1  }
0xa9: {  	[sflag:s23] =	ssyncset.done $0x0  }
0xaa: {  	s25 =	simm.s32 $0x1B8E;
	s24 =	sld [smem:$0x3FFE];
	[sflag:s23] =	ssyncadd.s32 $0xFFFFFFFF  }
0xab: {  	s26 =	simm.s32 $execute0_lowered;
	[smem:$0x3FD2] =	sst s25  }
0xac: {  	s7 =	sshll.u32 s26, $0x1;
	_ =	strace $0x80000046;
	[dreg:$0x1] =	wrdreg $0xFFFFFFFF  }
0xad: {  	s28 =	simm.s32 $_size_execute0_lowered;
	s5 =	sadd.s32 s5, s7;
	[dreg:$0x0] =	wrdreg $0x0  }
0xae: {  	s7 =	sshll.u32 s28, $0x1;
	[dreg:$0x2] =	wrdreg s5  }
0xaf: {  	[dreg:$0x3] =	wrdreg s7  }
0xb0: {  	[dreg:$0x4] =	wrdreg $0xC0  }
0xb1: {  	_ =	task [dreg:s9], $0x5FFFF  }
0xb2: {  	[dreg:$0x1] =	wrdreg $0xFFFFFFFF  }
0xb3: {  	[dreg:$0x0] =	wrdreg $0x60  }
0xb4: {  	[dreg:$0x2] =	wrdreg s24  }
0xb5: {  	[dreg:$0x3] =	wrdreg s15  }
0xb6: {  	[dreg:$0x4] =	wrdreg s16  }
0xb7: {  	[dreg:$0x5] =	wrdreg s17  }
0xb8: {  	[dreg:$0x6] =	wrdreg $0x9  }
0xb9: {  	_ =	task.clear_ibuf [dreg:s9], $0x7FFFF;
	_ =	strace $0x90000046  }
0xba: {  	s29 =	simm.s32 $0x9;
	_ =	strace $0x80000048  }
0xbb: {  	_ =	swait.ge [sflag:s29], $0x1  }
0xbc: {  	[sflag:s29] =	ssyncadd.s32 $0xFFFFFFFF  }
0xbd: {  	_ =	strace $0x90000048  }
0xbe: {  	_ =	sfence  }
0xbf: {  	s30 =	sld [smem:$0x0];
	_ =	sdelay $0x2  }
0xc0: {  	s31 =	sshll.u32 s1, $0xD;
	s1 =	sshrl.u32 s1, $0x2  }
0xc1: {  	s3 =	sand.u32 $0x4000, s31;
	s1 =	sadd.s32 s1, s30  }
0xc2: {  	s0 =	sor.u32 s3, s0;
	s1 =	sshll.u32 s1, $0x11  }
0xc3: {  	s0 =	sor.u32 s1, s0  }
0xc4: {  	s0 =	sadd.s32 $0x8F2B, s0  }
0xc5: {  	[sflag:s0] =	ssyncadd.remote.s32 $0x1  }
0xc6: {  	_ =	sfence.sel $0xFFFF  }
0xc7: {  	[dreg:$0x0] =	wrdreg $0xFFFFFFFF;
	(pc) =	sbr.abs _section_cstart, $3  }
0xc8: {  	[dreg:$0x1] =	wrdreg $0xFFFFFFFF  }
0xc9: {  	_ =	task.clear_ibuf [dreg:s9], $0x2FFFF;
	_ =	strace $0x9FFFFFFF  }
0xca: {  	(tm) =	ssettm $0x7FFFFFFF  }
0xcb: {  	_ =	shalt  }
tec
execute0_lowered:
.L_overlay_start_1:
0x0: {  	(tag) =	ssettag $0x1  }
0x1: {  	s4 =	rddreg [dreg:$0x0]  }
0x2: {  	s1 =	rddreg [dreg:$0x1]  }
0x3: {  	s2 =	srdreg.scid;
	s0 =	stileid.u32  }
0x4: {  	s11 =	rddreg [dreg:$0x2];
	s10 =	sand.u32 $0x1, s2;
	s28 =	sshll.u32 s0, $0x1  }
0x5: {  	s12 =	rddreg [dreg:$0x3];
	s13 =	sor.u32 s10, s28  }
0x6: {  	s3 =	simm.s32 $0x0;
	s2 =	rddreg [dreg:$0x4];
	s5 =	sshll.u32 s13, $0x5  }
0x7: {  	[smem:$0x7FF] =	sst s3;
	s4 =	sadd.s32 s5, s4  }
0x8: {  	_ =	strace $0x80000047;
	s5 =	sadd.s32 $0x600, s4;
	s4 =	simm.s32 $0x2  }
0x9: {  	[tilespmem:s3], [sflag:$0x2] =	stream.linear.gather [hbm4b:s5+s3], $0x100, $0x38;
	[tilespmem:$0x8100] =	vst v63  }
0xa: {  	s6 =	simm.s32 $0x80;
	s7 =	simm.s32 $0x100;
	_ =	swait.ge [sflag:s4], $0x100  }
0xb: {  	s8 =	simm.s32 $0x4100;
	s9 =	simm.s32 $0x1;
	[sflag:s4] =	ssyncset.done $0x0  }
0xc: {  	p0 =	slt.u32 s0, $0x8;
	s10 =	ssub.s32 $0x2, s10;
	[sflag:s4] =	ssyncadd.s32 $0xFFFFFF00  }
0xd: {  	[tilespmem:s7], [sflag:$0x1] =	stream.indirect.gather [hbm4b:s1+s6], $0x80, s3, s6, $0xb8;
	[tilespmem:$0x8100] =	vst v63  }
0xe: {  	s14 =	sshll.u32 s13, $0xF;
	s15 =	sshrl.u32 s10, $0x1;
	s30 =	sshll.u32 s13, $0xC  }
0xf: {  	[tilespmem:s8], [sflag:$0x1] =	stream.indirect.gather [hbm4b:s1+s6], $0x80, s6, s6, $0xb8;
	[tilespmem:$0x8100] =	vst v63  }
0x10: {  	s14 =	sadd.s32 $0xFFF80000, s14;
	s15 =	ssub.s32 s10, s15;
	_ =	swait.ge [sflag:s9], $0x4000  }
0x11: {  	s11 =	sadd.s32 s11, s30;
	s29 =	sshrl.u32 s14, $0x3;
	[sflag:s9] =	ssyncset.done $0x0  }
0x12: {  	s31 =	smax.u32 s15, $0x1;
	s10 =	sadd.s32 s12, s29;
	[sflag:s9] =	ssyncadd.s32 $0xFFFFC000  }
0x13: {  	s10 =	smov.u32 @p0 s11;
	p0 =	sne.s32 s31, $0x1;
	_ =	swait.ge [sflag:s9], $0x4000  }
.Ltmp0:
0x14: {  	[sflag:s9] =	ssyncset.done $0x0;
	(pc) =	sbr.rel @!p0 .LBB2_2-.Ltmp0, $4  }
0x15: {  	[sflag:s9] =	ssyncadd.s32 $0xFFFFC000  }
0x16: {  	[hbm4b:s10+s3] =	stream.linear.scatter [tilespmem:s7], [sflag:$0x2], $0x8000, $0x38;
	[tilespmem:$0x8100] =	vst v63  }
0x17: {  	_ =	swait.ge [sflag:s4], $0x8000  }
0x18: {  	s11 =	sadd.s32 $0xFFFFFFFF, s31;
	[sflag:s4] =	ssyncset.done $0x0  }
.LBB2_1:
0x19: {  	p0 =	sne.s32 s11, $0x1;
	s11 =	sadd.s32 $0xFFFFFFFF, s11;
	[sflag:s4] =	ssyncadd.s32 $0xFFFF8000  }
0x1a: {  	[tilespmem:s3], [sflag:$0x2] =	stream.linear.gather [hbm4b:s5+s3], $0x100, $0x38;
	[tilespmem:$0x8100] =	vst v63  }
0x1b: {  	_ =	swait.ge [sflag:s4], $0x100  }
0x1c: {  	[sflag:s4] =	ssyncset.done $0x0  }
0x1d: {  	[sflag:s4] =	ssyncadd.s32 $0xFFFFFF00  }
0x1e: {  	[tilespmem:s7], [sflag:$0x1] =	stream.indirect.gather [hbm4b:s1+s6], $0x80, s3, s6, $0xb8;
	[tilespmem:$0x8100] =	vst v63  }
0x1f: {  	_ = 	snop  }
0x20: {  	[tilespmem:s8], [sflag:$0x1] =	stream.indirect.gather [hbm4b:s1+s6], $0x80, s6, s6, $0xb8;
	[tilespmem:$0x8100] =	vst v63  }
0x21: {  	_ =	swait.ge [sflag:s9], $0x4000  }
0x22: {  	[sflag:s9] =	ssyncset.done $0x0  }
0x23: {  	[sflag:s9] =	ssyncadd.s32 $0xFFFFC000  }
0x24: {  	_ =	swait.ge [sflag:s9], $0x4000  }
.Ltmp1:
0x25: {  	[sflag:s9] =	ssyncset.done $0x0;
	(pc) =	sbr.rel @p0 .LBB2_1-.Ltmp1, $4  }
0x26: {  	[sflag:s9] =	ssyncadd.s32 $0xFFFFC000  }
0x27: {  	[hbm4b:s10+s3] =	stream.linear.scatter [tilespmem:s7], [sflag:$0x2], $0x8000, $0x38;
	[tilespmem:$0x8100] =	vst v63  }
0x28: {  	_ =	swait.ge [sflag:s4], $0x8000  }
0x29: {  	[sflag:s4] =	ssyncset.done $0x0  }
.LBB2_2:
0x2a: {  	[sflag:s4] =	ssyncadd.s32 $0xFFFF8000  }
0x2b: {  	_ =	sfence.sel $0x180000  }
0x2c: {  	[bflag:$0x0] =	sbarrier.arrive $0xFFFF  }
0x2d: {  	p0 =	sne.s32 s0, $0x0;
	_ =	strace $0x90000047  }
0x2e: {  	s0 =	sadd.s32 @!p0 $0x100000, s2;
	[bflag:$0x2] =	sbarrier.arrive $0xFFFF  }
0x2f: {  	[sflag:s0] =	ssyncadd.tile.s32 @!p0 $0x1;
	_ =	shalt  }
.Lfunc_end2:
_tile_overlayer_lowered:
.L_overlay_start_2:
0x30: {  	(tag) =	ssettag $0x2  }
0x31: {  	s0 =	rddreg [dreg:$0x0];
	s2 =	stileid.u32  }
0x32: {  	s1 =	rddreg [dreg:$0x1];
	p0 =	sne.s32 s2, $0x0  }
0x33: {  	s3 =	rddreg [dreg:$0x2];
	[bflag:$0x3] =	sbarrier.arrive $0xFFFF;
	s2 =	simm.s32 @!p0 $0x1C02  }
0x34: {  	[timem:s3], [sflag:s2] =	dma.local @!p0 [hbm:s0], s1  }
0x35: {  	s0 =	simm.s32 @!p0 $0x2  }
0x36: {  	_ =	swait.ge @!p0 [sflag:s0], s1  }
0x37: {  	s1 =	ssub.s32 @!p0 $0x0, s1;
	[sflag:s0] =	ssyncset.done @!p0 $0x0  }
0x38: {  	[sflag:s0] =	ssyncadd.s32 @!p0 s1  }
0x39: {  	[bflag:$0x3] =	sbarrier.arrive $0xFFFF  }
0x3a: {  	_ =	shalt  }

</sc_bundles>
